<compile_context>
chip_gen: v7x
topology: tpu7x:2x2x1
jax: 0.10.2.dev20260603
libtpu: 0.0.44.dev20260713+nightly
codegen_flags: <defaults>
</compile_context>

<pallas_src>
import dataclasses

import jax
import jax.numpy as jnp
from jax import lax
from jax.experimental import pallas as pl
from jax.experimental.pallas import tpu as pltpu
from jax.experimental.pallas import tpu_sc as plsc

_ROWS, _COLS = 128, 32768
_NSUB = 32
_K_SC = 64
_RPW = _K_SC // _NSUB
_TC_BLK = 32



def _count_body(x_hbm, cnt_hbm, buf0, buf1, acc_v, sem0, sem1, semc):
    wid = lax.axis_index("s") * 2 + lax.axis_index("c")
    base = wid * _RPW
    bufs = (buf0, buf1)
    sems = (sem0, sem1)

    cps = [None] * _RPW
    cps[0] = pltpu.async_copy(x_hbm.at[base], buf0, sem0)
    if _RPW > 1:
        cps[1] = pltpu.async_copy(x_hbm.at[base + 1], buf1, sem1)

    lane = lax.iota(jnp.int32, 16)
    cnt_cps = []
    for r in range(_RPW):
        buf = bufs[r % 2]
        cps[r].wait()
        v0 = buf[pl.ds(0, 16)]
        pivot = jnp.max(jnp.where(lane == 0, v0, -jnp.inf))

        @plsc.parallel_loop(0, _COLS, step=16, unroll=8,
                            carry=jnp.zeros((16,), jnp.int32))
        def acc_loop(i, acc, buf=buf, pivot=pivot):
            v = buf[pl.ds(i, 16)]
            return acc + jnp.where(v > pivot, 1, 0).astype(jnp.int32)

        acc_v[r] = acc_loop
        cnt_cps.append(pltpu.async_copy(acc_v.at[r], cnt_hbm.at[base + r], semc))
        if r + 2 < _RPW:
            cps[r + 2] = pltpu.async_copy(
                x_hbm.at[base + r + 2], bufs[r % 2], sems[r % 2]
            )

    for cp in cnt_cps:
        cp.wait()


def _sc_compiler_params():
    cp = pltpu.CompilerParams()
    if "needs_layout_passes" in pltpu.CompilerParams.__dataclass_fields__:
        cp = dataclasses.replace(cp, needs_layout_passes=False)
    return cp


def _sc_counts(scores):
    mesh = plsc.VectorSubcoreMesh(core_axis_name="c", subcore_axis_name="s")
    k = pl.kernel(
        _count_body,
        out_type=jax.ShapeDtypeStruct((_K_SC, 16), jnp.int32),
        mesh=mesh,
        compiler_params=_sc_compiler_params(),
        scratch_types=[
            pltpu.VMEM((_COLS,), jnp.float32),
            pltpu.VMEM((_COLS,), jnp.float32),
            pltpu.VMEM((_RPW, 16), jnp.int32),
            pltpu.SemaphoreType.DMA,
            pltpu.SemaphoreType.DMA,
            pltpu.SemaphoreType.DMA,
        ],
    )
    return k(scores)



def _fused_body(x_ref, o_ref):
    x = x_ref[...]
    pivot = x[:, 0:1]
    gt = (x > pivot).astype(jnp.int32)
    cnt = jnp.sum(gt, axis=1, keepdims=True)
    iota = lax.broadcasted_iota(jnp.int32, x.shape, 1)
    o_ref[...] = (iota == cnt).astype(jnp.float32)


def _onehot_from_counts_body(c16_ref, buf_ref, o_ref):
    del buf_ref
    cnt = jnp.sum(c16_ref[...], axis=1, keepdims=True)
    iota = lax.broadcasted_iota(jnp.int32, (_TC_BLK, _COLS), 1)
    o_ref[...] = (iota == cnt).astype(jnp.float32)


def kernel(scores):
    cnt16 = _sc_counts(scores)

    n_tc = (_ROWS - _K_SC) // _TC_BLK
    part = pl.pallas_call(
        _fused_body,
        grid=(n_tc,),
        in_specs=[pl.BlockSpec((_TC_BLK, _COLS),
                               lambda i: (i + _K_SC // _TC_BLK, 0))],
        out_specs=pl.BlockSpec((_TC_BLK, _COLS),
                               lambda i: (i + _K_SC // _TC_BLK, 0)),
        out_shape=jax.ShapeDtypeStruct((_ROWS, _COLS), jnp.float32),
    )(scores)

    out = pl.pallas_call(
        _onehot_from_counts_body,
        grid=(_K_SC // _TC_BLK,),
        in_specs=[
            pl.BlockSpec((_TC_BLK, 16), lambda i: (i, 0)),
            pl.BlockSpec(memory_space=pltpu.MemorySpace.HBM),
        ],
        out_specs=pl.BlockSpec((_TC_BLK, _COLS), lambda i: (i, 0)),
        out_shape=jax.ShapeDtypeStruct((_ROWS, _COLS), jnp.float32),
        input_output_aliases={1: 0},
    )(cnt16, part)
    return out

# --- scband reference (transcript-rebuilt; emitter-appended) ---
"""Pipeline reference for scband-arg-max-18004502904900 (READ-ONLY COPY).

The authoritative reference and input builder live on the scoring server;
editing this copy changes nothing except your own understanding.
"""

import jax, jax.numpy as jnp
import numpy as np

def setup_inputs(seed: int = 0) -> dict:
    key = jax.random.key(seed)
    scores = jax.random.normal(key, (128, 32768), dtype=jnp.float32)
    return {"scores": scores}

def reference(scores):
    # tf.argsort(inputs, axis=-1, direction='DESCENDING')
    order = jnp.argsort(-scores, axis=-1)
    # tf.cast(trimap_sorted == 0, dtype='float32')
    # one-hot mask marking the rank position where original index 0 lands
    return (order == 0).astype(jnp.float32)

if __name__ == "__main__":
    import jax
    _d = setup_inputs()
    print(jax.jit(kernel)(*tuple(_d.values())))

</pallas_src>

<mosaic_0001>
#map = affine_map<(d0, d1) -> (0, 0)>
module attributes {stable_mosaic.version = 14 : i64} {
  func.func @_count_body(%arg0: i32, %arg1: i32, %arg2: memref<128x32768xf32, #tpu.memory_space<hbm>>, %arg3: memref<64x16xi32, #tpu.memory_space<hbm>>, %arg4: memref<32768xf32, #tpu.memory_space<vmem>>, %arg5: memref<32768xf32, #tpu.memory_space<vmem>>, %arg6: memref<2x16xi32, #tpu.memory_space<vmem>>, %arg7: memref<!tpu.dma_semaphore, #tpu.memory_space<semaphore_mem>>, %arg8: memref<!tpu.dma_semaphore, #tpu.memory_space<semaphore_mem>>, %arg9: memref<!tpu.dma_semaphore, #tpu.memory_space<semaphore_mem>>) attributes {dimension_semantics = [#tpu.dimension_semantics<core_parallel>, #tpu.dimension_semantics<subcore_parallel>], iteration_bounds = array<i64: 2, 16>, scalar_prefetch = 0 : i64, scratch_operands = 6 : i64, tpu.core_type = #tpu.core_type<sc_vector_subcore>, window_params = [{transform_indices = #map}, {transform_indices = #map}]} {
    %mul3A = arith.constant 2 : i32
    %mul3A_0 = arith.muli %arg1, %mul3A : i32
    %add3A = arith.addi %mul3A_0, %arg0 : i32
    %mul3A_1 = arith.constant 2 : i32
    %mul3A_2 = arith.muli %add3A, %mul3A_1 : i32
    %dma_start3A = arith.constant 0 : i32
    %dma_start3A_3 = tpu.memref_slice %arg2[%mul3A_2, %dma_start3A] : memref<128x32768xf32, #tpu.memory_space<hbm>> -> memref<1x32768xf32, #tpu.memory_space<hbm>>
    %dma_start3A_4 = tpu.memref_squeeze %dma_start3A_3 : memref<1x32768xf32, #tpu.memory_space<hbm>> -> memref<32768xf32, #tpu.memory_space<hbm>>
    %dma_start3A_5 = arith.constant 0 : i32
    %dma_start3A_6 = tpu.memref_slice %arg2[%mul3A_2, %dma_start3A_5] : memref<128x32768xf32, #tpu.memory_space<hbm>> -> memref<1x32768xf32, #tpu.memory_space<hbm>>
    %dma_start3A_7 = tpu.memref_squeeze %dma_start3A_6 : memref<1x32768xf32, #tpu.memory_space<hbm>> -> memref<32768xf32, #tpu.memory_space<hbm>>
    tpu.enqueue_dma source(%dma_start3A_7 : memref<32768xf32, #tpu.memory_space<hbm>>) target(%arg4 : memref<32768xf32, #tpu.memory_space<vmem>>) target_semaphore(%arg7 : memref<!tpu.dma_semaphore, #tpu.memory_space<semaphore_mem>>)
    %add3A_8 = arith.constant 1 : i32
    %add3A_9 = arith.addi %mul3A_2, %add3A_8 : i32
    %dma_start3A_10 = arith.constant 0 : i32
    %dma_start3A_11 = tpu.memref_slice %arg2[%add3A_9, %dma_start3A_10] : memref<128x32768xf32, #tpu.memory_space<hbm>> -> memref<1x32768xf32, #tpu.memory_space<hbm>>
    %dma_start3A_12 = tpu.memref_squeeze %dma_start3A_11 : memref<1x32768xf32, #tpu.memory_space<hbm>> -> memref<32768xf32, #tpu.memory_space<hbm>>
    %dma_start3A_13 = arith.constant 0 : i32
    %dma_start3A_14 = tpu.memref_slice %arg2[%add3A_9, %dma_start3A_13] : memref<128x32768xf32, #tpu.memory_space<hbm>> -> memref<1x32768xf32, #tpu.memory_space<hbm>>
    %dma_start3A_15 = tpu.memref_squeeze %dma_start3A_14 : memref<1x32768xf32, #tpu.memory_space<hbm>> -> memref<32768xf32, #tpu.memory_space<hbm>>
    tpu.enqueue_dma source(%dma_start3A_15 : memref<32768xf32, #tpu.memory_space<hbm>>) target(%arg5 : memref<32768xf32, #tpu.memory_space<vmem>>) target_semaphore(%arg8 : memref<!tpu.dma_semaphore, #tpu.memory_space<semaphore_mem>>)
    %iota3A = tpu.iota {dimensions = array<i32: 0>} : vector<16xi32>
    %dma_wait3A = arith.constant 0 : i32
    %dma_wait3A_16 = tpu.memref_slice %arg2[%mul3A_2, %dma_wait3A] : memref<128x32768xf32, #tpu.memory_space<hbm>> -> memref<1x32768xf32, #tpu.memory_space<hbm>>
    %dma_wait3A_17 = tpu.memref_squeeze %dma_wait3A_16 : memref<1x32768xf32, #tpu.memory_space<hbm>> -> memref<32768xf32, #tpu.memory_space<hbm>>
    %dma_wait3A_18 = arith.constant 0 : i32
    %dma_wait3A_19 = tpu.memref_slice %arg2[%mul3A_2, %dma_wait3A_18] : memref<128x32768xf32, #tpu.memory_space<hbm>> -> memref<1x32768xf32, #tpu.memory_space<hbm>>
    %dma_wait3A_20 = tpu.memref_squeeze %dma_wait3A_19 : memref<1x32768xf32, #tpu.memory_space<hbm>> -> memref<32768xf32, #tpu.memory_space<hbm>>
    tpu.wait_dma2 semaphore(%arg7 : memref<!tpu.dma_semaphore, #tpu.memory_space<semaphore_mem>>) src(%dma_wait3A_20 : memref<32768xf32, #tpu.memory_space<hbm>>) dst(%arg4 : memref<32768xf32, #tpu.memory_space<vmem>>)
    %get3A = arith.constant 0 : index
    %get3A_21 = tpu.vector_load %arg4[%get3A] {strides = array<i32>} : memref<32768xf32, #tpu.memory_space<vmem>>, vector<16xf32>,
    %eq3A = arith.constant 0 : i32
    %eq3A_22 = vector.broadcast %eq3A : i32 to vector<16xi32>
    %eq3A_23 = arith.cmpi eq, %iota3A, %eq3A_22 : vector<16xi32>
    %jit3A = arith.constant 0xFF800000 : f32
    %broadcast_in_dim3A = vector.broadcast %jit3A : f32 to vector<16xf32>
    %select_n3A = arith.select %eq3A_23, %get3A_21, %broadcast_in_dim3A : vector<16xi1>, vector<16xf32>
    %reduce_max3A = arith.constant true
    %reduce_max3A_24 = vector.broadcast %reduce_max3A : i1 to vector<16xi1>
    %reduce_max3A_25 = tpu.scan <max>, %select_n3A masked %reduce_max3A_24 : vector<16xf32>, vector<16xi1> -> vector<16xf32>
    %reduce_max3A_26 = vector.extract %reduce_max3A_25[15] : f32 from vector<16xf32>
    %broadcast_in_dim3A_27 = arith.constant 0 : i32
    %broadcast_in_dim3A_28 = vector.broadcast %broadcast_in_dim3A_27 : i32 to vector<16xi32>
    %parallel_loop3A = arith.constant 0 : i32
    %parallel_loop3A_29 = arith.constant 32768 : i32
    %parallel_loop3A_30 = arith.constant 16 : i32
    %parallel_loop3A_31 = scf.for %parallel_loop3A_119 = %parallel_loop3A to %parallel_loop3A_29 step %parallel_loop3A_30 iter_args(%parallel_loop3A_120 = %broadcast_in_dim3A_28) -> (vector<16xi32>)  : i32 {
      %parallel_loop3A_121 = arith.index_cast %parallel_loop3A_119 : i32 to index
      %parallel_loop3A_122 = tpu.vector_load %arg4[%parallel_loop3A_121] {strides = array<i32>} : memref<32768xf32, #tpu.memory_space<vmem>>, vector<16xf32>,
      %parallel_loop3A_123 = vector.broadcast %reduce_max3A_26 : f32 to vector<16xf32>
      %parallel_loop3A_124 = arith.cmpf ogt, %parallel_loop3A_122, %parallel_loop3A_123 : vector<16xf32>
      %parallel_loop3A_125 = arith.constant 1 : i32
      %parallel_loop3A_126 = arith.constant 0 : i32
      %parallel_loop3A_127 = vector.broadcast %parallel_loop3A_125 : i32 to vector<16xi32>
      %parallel_loop3A_128 = vector.broadcast %parallel_loop3A_126 : i32 to vector<16xi32>
      %parallel_loop3A_129 = arith.select %parallel_loop3A_124, %parallel_loop3A_127, %parallel_loop3A_128 : vector<16xi1>, vector<16xi32>
      %parallel_loop3A_130 = arith.addi %parallel_loop3A_120, %parallel_loop3A_129 : vector<16xi32>
      scf.yield %parallel_loop3A_130 : vector<16xi32>
    } {sc.loop_unroll_factor = 8 : i64, sc.parallel_access}
    %swap3A = arith.constant 0 : i32
    %swap3A_32 = arith.index_cast %swap3A : i32 to index
    %swap3A_33 = arith.constant 0 : index
    %swap3A_34 = tpu.vector_load %arg6[%swap3A_32, %swap3A_33] {strides = array<i32>} : memref<2x16xi32, #tpu.memory_space<vmem>>, vector<16xi32>,
    tpu.vector_store %arg6[%swap3A_32, %swap3A_33], %parallel_loop3A_31 {strides = array<i32>} : memref<2x16xi32, #tpu.memory_space<vmem>>, vector<16xi32>,
    %add3A_35 = arith.constant 0 : i32
    %add3A_36 = arith.addi %mul3A_2, %add3A_35 : i32
    %dma_start3A_37 = arith.constant 0 : i32
    %dma_start3A_38 = arith.constant 0 : i32
    %dma_start3A_39 = tpu.memref_slice %arg6[%dma_start3A_37, %dma_start3A_38] : memref<2x16xi32, #tpu.memory_space<vmem>> -> memref<1x16xi32, #tpu.memory_space<vmem>>
    %dma_start3A_40 = tpu.memref_squeeze %dma_start3A_39 : memref<1x16xi32, #tpu.memory_space<vmem>> -> memref<16xi32, #tpu.memory_space<vmem>>
    %dma_start3A_41 = arith.constant 0 : i32
    %dma_start3A_42 = tpu.memref_slice %arg3[%add3A_36, %dma_start3A_41] : memref<64x16xi32, #tpu.memory_space<hbm>> -> memref<1x16xi32, #tpu.memory_space<hbm>>
    %dma_start3A_43 = tpu.memref_squeeze %dma_start3A_42 : memref<1x16xi32, #tpu.memory_space<hbm>> -> memref<16xi32, #tpu.memory_space<hbm>>
    %dma_start3A_44 = arith.constant 0 : i32
    %dma_start3A_45 = tpu.memref_slice %arg3[%add3A_36, %dma_start3A_44] : memref<64x16xi32, #tpu.memory_space<hbm>> -> memref<1x16xi32, #tpu.memory_space<hbm>>
    %dma_start3A_46 = tpu.memref_squeeze %dma_start3A_45 : memref<1x16xi32, #tpu.memory_space<hbm>> -> memref<16xi32, #tpu.memory_space<hbm>>
    %dma_start3A_47 = arith.constant 0 : i32
    %dma_start3A_48 = tpu.memref_slice %arg6[%dma_start3A_37, %dma_start3A_47] : memref<2x16xi32, #tpu.memory_space<vmem>> -> memref<1x16xi32, #tpu.memory_space<vmem>>
    %dma_start3A_49 = tpu.memref_squeeze %dma_start3A_48 : memref<1x16xi32, #tpu.memory_space<vmem>> -> memref<16xi32, #tpu.memory_space<vmem>>
    tpu.enqueue_dma source(%dma_start3A_49 : memref<16xi32, #tpu.memory_space<vmem>>) target(%dma_start3A_46 : memref<16xi32, #tpu.memory_space<hbm>>) target_semaphore(%arg9 : memref<!tpu.dma_semaphore, #tpu.memory_space<semaphore_mem>>)
    %dma_wait3A_50 = arith.constant 0 : i32
    %dma_wait3A_51 = tpu.memref_slice %arg2[%add3A_9, %dma_wait3A_50] : memref<128x32768xf32, #tpu.memory_space<hbm>> -> memref<1x32768xf32, #tpu.memory_space<hbm>>
    %dma_wait3A_52 = tpu.memref_squeeze %dma_wait3A_51 : memref<1x32768xf32, #tpu.memory_space<hbm>> -> memref<32768xf32, #tpu.memory_space<hbm>>
    %dma_wait3A_53 = arith.constant 0 : i32
    %dma_wait3A_54 = tpu.memref_slice %arg2[%add3A_9, %dma_wait3A_53] : memref<128x32768xf32, #tpu.memory_space<hbm>> -> memref<1x32768xf32, #tpu.memory_space<hbm>>
    %dma_wait3A_55 = tpu.memref_squeeze %dma_wait3A_54 : memref<1x32768xf32, #tpu.memory_space<hbm>> -> memref<32768xf32, #tpu.memory_space<hbm>>
    tpu.wait_dma2 semaphore(%arg8 : memref<!tpu.dma_semaphore, #tpu.memory_space<semaphore_mem>>) src(%dma_wait3A_55 : memref<32768xf32, #tpu.memory_space<hbm>>) dst(%arg5 : memref<32768xf32, #tpu.memory_space<vmem>>)
    %get3A_56 = arith.constant 0 : index
    %get3A_57 = tpu.vector_load %arg5[%get3A_56] {strides = array<i32>} : memref<32768xf32, #tpu.memory_space<vmem>>, vector<16xf32>,
    %eq3A_58 = arith.constant 0 : i32
    %eq3A_59 = vector.broadcast %eq3A_58 : i32 to vector<16xi32>
    %eq3A_60 = arith.cmpi eq, %iota3A, %eq3A_59 : vector<16xi32>
    %jit3A_61 = arith.constant 0xFF800000 : f32
    %broadcast_in_dim3A_62 = vector.broadcast %jit3A_61 : f32 to vector<16xf32>
    %select_n3A_63 = arith.select %eq3A_60, %get3A_57, %broadcast_in_dim3A_62 : vector<16xi1>, vector<16xf32>
    %reduce_max3A_64 = arith.constant true
    %reduce_max3A_65 = vector.broadcast %reduce_max3A_64 : i1 to vector<16xi1>
    %reduce_max3A_66 = tpu.scan <max>, %select_n3A_63 masked %reduce_max3A_65 : vector<16xf32>, vector<16xi1> -> vector<16xf32>
    %reduce_max3A_67 = vector.extract %reduce_max3A_66[15] : f32 from vector<16xf32>
    %broadcast_in_dim3A_68 = arith.constant 0 : i32
    %broadcast_in_dim3A_69 = vector.broadcast %broadcast_in_dim3A_68 : i32 to vector<16xi32>
    %parallel_loop3A_70 = arith.constant 0 : i32
    %parallel_loop3A_71 = arith.constant 32768 : i32
    %parallel_loop3A_72 = arith.constant 16 : i32
    %parallel_loop3A_73 = scf.for %parallel_loop3A_119 = %parallel_loop3A_70 to %parallel_loop3A_71 step %parallel_loop3A_72 iter_args(%parallel_loop3A_120 = %broadcast_in_dim3A_69) -> (vector<16xi32>)  : i32 {
      %parallel_loop3A_121 = arith.index_cast %parallel_loop3A_119 : i32 to index
      %parallel_loop3A_122 = tpu.vector_load %arg5[%parallel_loop3A_121] {strides = array<i32>} : memref<32768xf32, #tpu.memory_space<vmem>>, vector<16xf32>,
      %parallel_loop3A_123 = vector.broadcast %reduce_max3A_67 : f32 to vector<16xf32>
      %parallel_loop3A_124 = arith.cmpf ogt, %parallel_loop3A_122, %parallel_loop3A_123 : vector<16xf32>
      %parallel_loop3A_125 = arith.constant 1 : i32
      %parallel_loop3A_126 = arith.constant 0 : i32
      %parallel_loop3A_127 = vector.broadcast %parallel_loop3A_125 : i32 to vector<16xi32>
      %parallel_loop3A_128 = vector.broadcast %parallel_loop3A_126 : i32 to vector<16xi32>
      %parallel_loop3A_129 = arith.select %parallel_loop3A_124, %parallel_loop3A_127, %parallel_loop3A_128 : vector<16xi1>, vector<16xi32>
      %parallel_loop3A_130 = arith.addi %parallel_loop3A_120, %parallel_loop3A_129 : vector<16xi32>
      scf.yield %parallel_loop3A_130 : vector<16xi32>
    } {sc.loop_unroll_factor = 8 : i64, sc.parallel_access}
    %swap3A_74 = arith.constant 1 : i32
    %swap3A_75 = arith.index_cast %swap3A_74 : i32 to index
    %swap3A_76 = arith.constant 0 : index
    %swap3A_77 = tpu.vector_load %arg6[%swap3A_75, %swap3A_76] {strides = array<i32>} : memref<2x16xi32, #tpu.memory_space<vmem>>, vector<16xi32>,
    tpu.vector_store %arg6[%swap3A_75, %swap3A_76], %parallel_loop3A_73 {strides = array<i32>} : memref<2x16xi32, #tpu.memory_space<vmem>>, vector<16xi32>,
    %add3A_78 = arith.constant 1 : i32
    %add3A_79 = arith.addi %mul3A_2, %add3A_78 : i32
    %dma_start3A_80 = arith.constant 1 : i32
    %dma_start3A_81 = arith.constant 0 : i32
    %dma_start3A_82 = tpu.memref_slice %arg6[%dma_start3A_80, %dma_start3A_81] : memref<2x16xi32, #tpu.memory_space<vmem>> -> memref<1x16xi32, #tpu.memory_space<vmem>>
    %dma_start3A_83 = tpu.memref_squeeze %dma_start3A_82 : memref<1x16xi32, #tpu.memory_space<vmem>> -> memref<16xi32, #tpu.memory_space<vmem>>
    %dma_start3A_84 = arith.constant 0 : i32
    %dma_start3A_85 = tpu.memref_slice %arg3[%add3A_79, %dma_start3A_84] : memref<64x16xi32, #tpu.memory_space<hbm>> -> memref<1x16xi32, #tpu.memory_space<hbm>>
    %dma_start3A_86 = tpu.memref_squeeze %dma_start3A_85 : memref<1x16xi32, #tpu.memory_space<hbm>> -> memref<16xi32, #tpu.memory_space<hbm>>
    %dma_start3A_87 = arith.constant 0 : i32
    %dma_start3A_88 = tpu.memref_slice %arg3[%add3A_79, %dma_start3A_87] : memref<64x16xi32, #tpu.memory_space<hbm>> -> memref<1x16xi32, #tpu.memory_space<hbm>>
    %dma_start3A_89 = tpu.memref_squeeze %dma_start3A_88 : memref<1x16xi32, #tpu.memory_space<hbm>> -> memref<16xi32, #tpu.memory_space<hbm>>
    %dma_start3A_90 = arith.constant 0 : i32
    %dma_start3A_91 = tpu.memref_slice %arg6[%dma_start3A_80, %dma_start3A_90] : memref<2x16xi32, #tpu.memory_space<vmem>> -> memref<1x16xi32, #tpu.memory_space<vmem>>
    %dma_start3A_92 = tpu.memref_squeeze %dma_start3A_91 : memref<1x16xi32, #tpu.memory_space<vmem>> -> memref<16xi32, #tpu.memory_space<vmem>>
    tpu.enqueue_dma source(%dma_start3A_92 : memref<16xi32, #tpu.memory_space<vmem>>) target(%dma_start3A_89 : memref<16xi32, #tpu.memory_space<hbm>>) target_semaphore(%arg9 : memref<!tpu.dma_semaphore, #tpu.memory_space<semaphore_mem>>)
    %dma_wait3A_93 = arith.constant 0 : i32
    %dma_wait3A_94 = arith.constant 0 : i32
    %dma_wait3A_95 = tpu.memref_slice %arg6[%dma_wait3A_93, %dma_wait3A_94] : memref<2x16xi32, #tpu.memory_space<vmem>> -> memref<1x16xi32, #tpu.memory_space<vmem>>
    %dma_wait3A_96 = tpu.memref_squeeze %dma_wait3A_95 : memref<1x16xi32, #tpu.memory_space<vmem>> -> memref<16xi32, #tpu.memory_space<vmem>>
    %dma_wait3A_97 = arith.constant 0 : i32
    %dma_wait3A_98 = tpu.memref_slice %arg3[%add3A_36, %dma_wait3A_97] : memref<64x16xi32, #tpu.memory_space<hbm>> -> memref<1x16xi32, #tpu.memory_space<hbm>>
    %dma_wait3A_99 = tpu.memref_squeeze %dma_wait3A_98 : memref<1x16xi32, #tpu.memory_space<hbm>> -> memref<16xi32, #tpu.memory_space<hbm>>
    %dma_wait3A_100 = arith.constant 0 : i32
    %dma_wait3A_101 = tpu.memref_slice %arg3[%add3A_36, %dma_wait3A_100] : memref<64x16xi32, #tpu.memory_space<hbm>> -> memref<1x16xi32, #tpu.memory_space<hbm>>
    %dma_wait3A_102 = tpu.memref_squeeze %dma_wait3A_101 : memref<1x16xi32, #tpu.memory_space<hbm>> -> memref<16xi32, #tpu.memory_space<hbm>>
    %dma_wait3A_103 = arith.constant 0 : i32
    %dma_wait3A_104 = tpu.memref_slice %arg6[%dma_wait3A_93, %dma_wait3A_103] : memref<2x16xi32, #tpu.memory_space<vmem>> -> memref<1x16xi32, #tpu.memory_space<vmem>>
    %dma_wait3A_105 = tpu.memref_squeeze %dma_wait3A_104 : memref<1x16xi32, #tpu.memory_space<vmem>> -> memref<16xi32, #tpu.memory_space<vmem>>
    tpu.wait_dma2 semaphore(%arg9 : memref<!tpu.dma_semaphore, #tpu.memory_space<semaphore_mem>>) src(%dma_wait3A_105 : memref<16xi32, #tpu.memory_space<vmem>>) dst(%dma_wait3A_102 : memref<16xi32, #tpu.memory_space<hbm>>)
    %dma_wait3A_106 = arith.constant 1 : i32
    %dma_wait3A_107 = arith.constant 0 : i32
    %dma_wait3A_108 = tpu.memref_slice %arg6[%dma_wait3A_106, %dma_wait3A_107] : memref<2x16xi32, #tpu.memory_space<vmem>> -> memref<1x16xi32, #tpu.memory_space<vmem>>
    %dma_wait3A_109 = tpu.memref_squeeze %dma_wait3A_108 : memref<1x16xi32, #tpu.memory_space<vmem>> -> memref<16xi32, #tpu.memory_space<vmem>>
    %dma_wait3A_110 = arith.constant 0 : i32
    %dma_wait3A_111 = tpu.memref_slice %arg3[%add3A_79, %dma_wait3A_110] : memref<64x16xi32, #tpu.memory_space<hbm>> -> memref<1x16xi32, #tpu.memory_space<hbm>>
    %dma_wait3A_112 = tpu.memref_squeeze %dma_wait3A_111 : memref<1x16xi32, #tpu.memory_space<hbm>> -> memref<16xi32, #tpu.memory_space<hbm>>
    %dma_wait3A_113 = arith.constant 0 : i32
    %dma_wait3A_114 = tpu.memref_slice %arg3[%add3A_79, %dma_wait3A_113] : memref<64x16xi32, #tpu.memory_space<hbm>> -> memref<1x16xi32, #tpu.memory_space<hbm>>
    %dma_wait3A_115 = tpu.memref_squeeze %dma_wait3A_114 : memref<1x16xi32, #tpu.memory_space<hbm>> -> memref<16xi32, #tpu.memory_space<hbm>>
    %dma_wait3A_116 = arith.constant 0 : i32
    %dma_wait3A_117 = tpu.memref_slice %arg6[%dma_wait3A_106, %dma_wait3A_116] : memref<2x16xi32, #tpu.memory_space<vmem>> -> memref<1x16xi32, #tpu.memory_space<vmem>>
    %dma_wait3A_118 = tpu.memref_squeeze %dma_wait3A_117 : memref<1x16xi32, #tpu.memory_space<vmem>> -> memref<16xi32, #tpu.memory_space<vmem>>
    tpu.wait_dma2 semaphore(%arg9 : memref<!tpu.dma_semaphore, #tpu.memory_space<semaphore_mem>>) src(%dma_wait3A_118 : memref<16xi32, #tpu.memory_space<vmem>>) dst(%dma_wait3A_115 : memref<16xi32, #tpu.memory_space<hbm>>)
    return
  }
}

module attributes {stable_mosaic.version = 14 : i64} {
  func.func @_onehot_from_counts_body(%arg0: i32, %arg1: memref<32x16xi32, #tpu.memory_space<vmem>>, %arg2: memref<128x32768xf32, #tpu.memory_space<hbm>>, %arg3: memref<32x32768xf32, #tpu.memory_space<vmem>>) attributes {dimension_semantics = [#tpu.dimension_semantics<arbitrary>], iteration_bounds = array<i64: 2>, scalar_prefetch = 0 : i64, scratch_operands = 0 : i64, tpu.core_type = #tpu.core_type<tc>, window_params = [{transform_indices = @transform_0, window_bounds = array<i64: 32, 16>}, {}, {transform_indices = @transform_2, window_bounds = array<i64: 32, 32768>}]} {
    %get3A = arith.constant 0 : index
    %get3A_0 = arith.constant 0 : index
    %get3A_1 = vector.load %arg1[%get3A, %get3A_0] : memref<32x16xi32, #tpu.memory_space<vmem>>, vector<32x16xi32>
    %reduce_sum3A = arith.constant dense<0> : vector<32xi32>
    %reduce_sum3A_2 = vector.multi_reduction <add>, %get3A_1, %reduce_sum3A [1] : vector<32x16xi32> to vector<32xi32>
    %broadcast_in_dim3A = vector.shape_cast %reduce_sum3A_2 : vector<32xi32> to vector<32x1xi32>
    %iota3A = tpu.iota {dimensions = array<i32: 1>} : vector<32x32768xi32>
    %eq3A = vector.broadcast %broadcast_in_dim3A : vector<32x1xi32> to vector<32x32768xi32>
    %eq3A_3 = arith.cmpi eq, %iota3A, %eq3A : vector<32x32768xi32>
    %convert_element_type3A = arith.extui %eq3A_3 : vector<32x32768xi1> to vector<32x32768xi32>
    %convert_element_type3A_4 = arith.sitofp %convert_element_type3A : vector<32x32768xi32> to vector<32x32768xf32>
    %swap3A = arith.constant 0 : index
    %swap3A_5 = arith.constant 0 : index
    %swap3A_6 = vector.load %arg3[%swap3A, %swap3A_5] : memref<32x32768xf32, #tpu.memory_space<vmem>>, vector<32x32768xf32>
    tpu.vector_store %arg3[%swap3A, %swap3A_5], %convert_element_type3A_4 {strides = array<i32>} : memref<32x32768xf32, #tpu.memory_space<vmem>>, vector<32x32768xf32>,
    return
  }
  func.func @transform_0(%arg0: i32) -> (i32, i32) {
    %c0_i32 = arith.constant 0 : i32
    %c0_i32_0 = arith.constant 0 : i32
    return %arg0, %c0_i32 : i32, i32
  }
  func.func @transform_2(%arg0: i32) -> (i32, i32) {
    %c0_i32 = arith.constant 0 : i32
    %c0_i32_0 = arith.constant 0 : i32
    return %arg0, %c0_i32 : i32, i32
  }
}

module attributes {stable_mosaic.version = 14 : i64} {
  func.func @_fused_body(%arg0: i32, %arg1: memref<32x32768xf32, #tpu.memory_space<vmem>>, %arg2: memref<32x32768xf32, #tpu.memory_space<vmem>>) attributes {dimension_semantics = [#tpu.dimension_semantics<arbitrary>], iteration_bounds = array<i64: 2>, scalar_prefetch = 0 : i64, scratch_operands = 0 : i64, tpu.core_type = #tpu.core_type<tc>, window_params = [{transform_indices = @transform_0, window_bounds = array<i64: 32, 32768>}, {transform_indices = @transform_1, window_bounds = array<i64: 32, 32768>}]} {
    %get3A = arith.constant 0 : index
    %get3A_0 = arith.constant 0 : index
    %get3A_1 = vector.load %arg1[%get3A, %get3A_0] : memref<32x32768xf32, #tpu.memory_space<vmem>>, vector<32x32768xf32>
    %slice3A = vector.extract_strided_slice %get3A_1 {offsets = [0, 0], sizes = [32, 1], strides = [1, 1]} : vector<32x32768xf32> to vector<32x1xf32>
    %gt3A = vector.broadcast %slice3A : vector<32x1xf32> to vector<32x32768xf32>
    %gt3A_2 = arith.cmpf ogt, %get3A_1, %gt3A : vector<32x32768xf32>
    %convert_element_type3A = arith.extui %gt3A_2 : vector<32x32768xi1> to vector<32x32768xi32>
    %reduce_sum3A = arith.constant dense<0> : vector<32xi32>
    %reduce_sum3A_3 = vector.multi_reduction <add>, %convert_element_type3A, %reduce_sum3A [1] : vector<32x32768xi32> to vector<32xi32>
    %broadcast_in_dim3A = vector.shape_cast %reduce_sum3A_3 : vector<32xi32> to vector<32x1xi32>
    %iota3A = tpu.iota {dimensions = array<i32: 1>} : vector<32x32768xi32>
    %eq3A = vector.broadcast %broadcast_in_dim3A : vector<32x1xi32> to vector<32x32768xi32>
    %eq3A_4 = arith.cmpi eq, %iota3A, %eq3A : vector<32x32768xi32>
    %convert_element_type3A_5 = arith.extui %eq3A_4 : vector<32x32768xi1> to vector<32x32768xi32>
    %convert_element_type3A_6 = arith.sitofp %convert_element_type3A_5 : vector<32x32768xi32> to vector<32x32768xf32>
    %swap3A = arith.constant 0 : index
    %swap3A_7 = arith.constant 0 : index
    %swap3A_8 = vector.load %arg2[%swap3A, %swap3A_7] : memref<32x32768xf32, #tpu.memory_space<vmem>>, vector<32x32768xf32>
    tpu.vector_store %arg2[%swap3A, %swap3A_7], %convert_element_type3A_6 {strides = array<i32>} : memref<32x32768xf32, #tpu.memory_space<vmem>>, vector<32x32768xf32>,
    return
  }
  func.func @transform_0(%arg0: i32) -> (i32, i32) {
    %add3A = arith.constant 2 : i32
    %add3A_0 = arith.addi %arg0, %add3A : i32
    %c0_i32 = arith.constant 0 : i32
    %c0_i32_1 = arith.constant 0 : i32
    return %add3A_0, %c0_i32 : i32, i32
  }
  func.func @transform_1(%arg0: i32) -> (i32, i32) {
    %add3A = arith.constant 2 : i32
    %add3A_0 = arith.addi %arg0, %add3A : i32
    %c0_i32 = arith.constant 0 : i32
    %c0_i32_1 = arith.constant 0 : i32
    return %add3A_0, %c0_i32 : i32, i32
  }
}

</mosaic_0001>

<sc_bundles>
// kernel: kernel.5.cloned.1.call-start
scs
__scs_entry_jumppad:
0x0: {  	(pc) =	sbr.rel $0x88, $3  }
0x1: {  	(tag) =	ssettag $0x0;
	lr =	simm.s32 $0x1  }
0x2: {  	[smem:$0x3FA0] =	sst lr;
	_ =	strace $0xD0000000  }
0x3: {  	_ = 	snop  }
0x4: {  	_ = 	snop  }
0x5: {  	_ = 	snop  }
0x6: {  	_ = 	snop  }
0x7: {  	_ = 	snop  }
__scs_overlays_trampoline_lowered:
0x8: {  	[smem:$0x3FAF] =	sst s0  }
0x9: {  	[smem:$0x3FB0] =	sst s1  }
0xa: {  	[smem:$0x3FB1] =	sst s2  }
0xb: {  	[smem:$0x3FB2] =	sst s3  }
0xc: {  	[smem:$0x3FB3] =	sst s4  }
0xd: {  	[smem:$0x3FB4] =	sst s5  }
0xe: {  	[smem:$0x3FB5] =	sst s6  }
0xf: {  	[smem:$0x3FB6] =	sst s7  }
0x10: {  	[smem:$0x3FB7] =	sst s8  }
0x11: {  	[smem:$0x3FB8] =	sst s9;
	s0 =	simm.s32 @!p0 $0x0  }
0x12: {  	s1 =	sld [smem:$0x3F9E];
	s0 =	simm.s32 @p0 $0x1  }
0x13: {  	[smem:$0x3FB9] =	sst s0;
	s0 =	simm.s32 @!p1 $0x0  }
0x14: {  	s2 =	sld [smem:$0x3F9D];
	s0 =	simm.s32 @p1 $0x1  }
0x15: {  	[smem:$0x3FBA] =	sst s0;
	s0 =	simm.s32 @!p2 $0x0  }
0x16: {  	s3 =	sld [smem:$0x3FDB];
	s0 =	simm.s32 @p2 $0x1  }
0x17: {  	s4 =	simm.s32 $0x1BF5;
	[smem:$0x3FBC] =	sst s0  }
0x18: {  	s0 =	sld [smem:$0x3F9F];
	_ =	swait.ge [sflag:s4], $0x0  }
0x19: {  	s7 =	sld [smem:$0x3FA0]  }
0x1a: {  	s8 =	sadd.s32 $0xFFFFE003, lr  }
0x1b: {  	s9 =	sadd.s32 $0xFFFFFEF7, lr;
	s5 =	simm.s32 $0xFFFFFFFF;
	p2 =	slt.u32 s8, $0xFFFFF086  }
0x1c: {  	p1 =	slt.u32 s9, $0xF7A;
	s5 =	simm.s32 @!p2 $0x0  }
0x1d: {  	s5 =	simm.s32 @p1 $0x1;
	p0 =	seq.s32 s7, s2  }
0x1e: {  	s7 =	smul.u32 @!p0 $0xF7A, s2;
	p2 =	seq.s32 @!p0 s5, $0x0  }
0x1f: {  	s9 =	smul.u32 $0xF7A, s1;
	s8 =	simm.s32 @!p0 $0x1BF5;
	p2 =	por !p2, p0  }
0x20: {  	[sflag:s8] =	ssyncset.s32 @!p0 $0xFFFFF086;
	s6 =	sadd.s32 @!p0 s3, s7;
	s7 =	simm.s32 @!p0 $0x108  }
0x21: {  	s3 =	sadd.s32 s3, s9;
	s6 =	sadd.s32 @!p0 $0x88, s6;
	s7 =	simm.s32 @p2 $0x1082  }
0x22: {  	[simem:s7], [sflag:s8] =	dma.local @!p0 [hbm:s6], $0xF7A  }
0x23: {  	s9 =	sor.u32 $0xD0000000, s2;
	s6 =	simm.s32 $0x108;
	_ =	swait.ge @!p0 [sflag:s8], $0x0  }
0x24: {  	s3 =	sadd.s32 $0x88, s3;
	s6 =	simm.s32 @!p1 $0x1082;
	[sflag:s4] =	ssyncset.s32 $0xFFFFF086  }
0x25: {  	[simem:s6], [sflag:s4] =	dma.local [hbm:s3], $0xF7A  }
0x26: {  	[smem:$0x3FA0] =	sst s1;
	(tag) =	ssettag s2;
	_ =	strace s9  }
0x27: {  	s1 =	sld [smem:$0x3FB0]  }
0x28: {  	s2 =	sld [smem:$0x3FB1]  }
0x29: {  	s4 =	sld [smem:$0x3FB3]  }
0x2a: {  	p0 =	seq.s32 s5, $0x0;
	s5 =	sld [smem:$0x3FB4]  }
0x2b: {  	s6 =	sld [smem:$0x3FB5]  }
0x2c: {  	s7 =	sld [smem:$0x3FB6]  }
0x2d: {  	s3 =	simm.s32 $0x108;
	s8 =	sld [smem:$0x3FB7]  }
0x2e: {  	s3 =	simm.s32 @!p0 $0x1082;
	s9 =	sld [smem:$0x3FB8]  }
0x2f: {  	lr =	sadd.s32 s0, s3;
	s0 =	sld [smem:$0x3FAF]  }
0x30: {  	s3 =	sld [smem:$0x3FB2]  }
0x31: {  	[smem:$0x3FBB] =	sst s10  }
0x32: {  	s10 =	sld [smem:$0x3FB9];
	_ =	sdelay $0x3  }
0x33: {  	p0 =	seq.s32 s10, $0x1;
	s10 =	sld [smem:$0x3FBB];
	_ =	sdelay $0x3  }
0x34: {  	[smem:$0x3FBB] =	sst s10  }
0x35: {  	s10 =	sld [smem:$0x3FBA];
	_ =	sdelay $0x3  }
0x36: {  	p1 =	seq.s32 s10, $0x1;
	s10 =	sld [smem:$0x3FBB];
	_ =	sdelay $0x3  }
0x37: {  	[smem:$0x3FBB] =	sst s10  }
0x38: {  	s10 =	sld [smem:$0x3FBC]  }
0x39: {  	_ = 	snop;
	(pc) =	sbr.ind lr, $3  }
0x3a: {  	_ = 	snop  }
0x3b: {  	_ = 	snop  }
0x3c: {  	p2 =	seq.s32 s10, $0x1;
	s10 =	sld [smem:$0x3FBB]  }
0x3d: {  	_ =	shalt  }
0x3e: {  	_ =	shalt  }
0x3f: {  	_ =	shalt  }
0x40: {  	_ =	shalt  }
0x41: {  	_ =	shalt  }
0x42: {  	_ =	shalt  }
0x43: {  	_ =	shalt  }
0x44: {  	_ =	shalt  }
0x45: {  	_ =	shalt  }
0x46: {  	_ =	shalt  }
0x47: {  	_ =	shalt  }
0x48: {  	_ =	shalt  }
0x49: {  	_ =	shalt  }
0x4a: {  	_ =	shalt  }
0x4b: {  	_ =	shalt  }
0x4c: {  	_ =	shalt  }
0x4d: {  	_ =	shalt  }
0x4e: {  	_ =	shalt  }
0x4f: {  	_ =	shalt  }
0x50: {  	_ =	shalt  }
0x51: {  	_ =	shalt  }
0x52: {  	_ =	shalt  }
0x53: {  	_ =	shalt  }
0x54: {  	_ =	shalt  }
0x55: {  	_ =	shalt  }
0x56: {  	_ =	shalt  }
0x57: {  	_ =	shalt  }
0x58: {  	_ =	shalt  }
0x59: {  	_ =	shalt  }
0x5a: {  	_ =	shalt  }
0x5b: {  	_ =	shalt  }
0x5c: {  	_ =	shalt  }
0x5d: {  	_ =	shalt  }
0x5e: {  	_ =	shalt  }
0x5f: {  	_ =	shalt  }
0x60: {  	_ =	shalt  }
0x61: {  	_ =	shalt  }
0x62: {  	_ =	shalt  }
0x63: {  	_ =	shalt  }
0x64: {  	_ =	shalt  }
0x65: {  	_ =	shalt  }
0x66: {  	_ =	shalt  }
0x67: {  	_ =	shalt  }
0x68: {  	_ =	shalt  }
0x69: {  	_ =	shalt  }
0x6a: {  	_ =	shalt  }
0x6b: {  	_ =	shalt  }
0x6c: {  	_ =	shalt  }
0x6d: {  	_ =	shalt  }
0x6e: {  	_ =	shalt  }
0x6f: {  	_ =	shalt  }
0x70: {  	_ =	shalt  }
0x71: {  	_ =	shalt  }
0x72: {  	_ =	shalt  }
0x73: {  	_ =	shalt  }
0x74: {  	_ =	shalt  }
0x75: {  	_ =	shalt  }
0x76: {  	_ =	shalt  }
0x77: {  	_ =	shalt  }
0x78: {  	_ =	shalt  }
0x79: {  	_ =	shalt  }
0x7a: {  	_ =	shalt  }
0x7b: {  	_ =	shalt  }
0x7c: {  	_ =	shalt  }
0x7d: {  	_ =	shalt  }
0x7e: {  	_ =	shalt  }
0x7f: {  	_ =	shalt  }
0x80: {  	_ =	shalt  }
0x81: {  	_ =	shalt  }
0x82: {  	_ =	shalt  }
0x83: {  	_ =	shalt  }
0x84: {  	_ =	shalt  }
0x85: {  	_ =	shalt  }
0x86: {  	_ =	shalt  }
0x87: {  	_ =	shalt  }
.Lfunc_end0:
.L_simem_size_0:
called_computation_lowered:
.L_overlay_start_0:
0x88: {  	s2 =	sld [smem:$0x3FD9]  }
0x89: {  	s3 =	sld [smem:$0x3FFE];
	_ =	sdelay $0x1  }
0x8a: {  	s1 =	srdreg.scid  }
0x8b: {  	s0 =	sand.u32 $0x1, s1  }
0x8c: {  	s17 =	sshll.u32 s0, $0xA;
	s2 =	sadd.s32 s3, s2  }
0x8d: {  	s2 =	sadd.s32 s2, s17  }
0x8e: {  	[smem:$0x3FC7] =	sst s2  }
0x8f: {  	_ = 	snop  }
0x90: {  	s2 =	sld [smem:$0x3FC9];
	(tm) =	ssettm $0x1  }
0x91: {  	s18 =	sld [smem:$0x3FFB];
	_ =	sdelay $0x3  }
0x92: {  	_ =	strace s18  }
0x93: {  	s3 =	sld [smem:$0x3FFC];
	_ =	sdelay $0x3  }
0x94: {  	_ =	strace s3  }
0x95: {  	s3 =	sld [smem:$0x3FFD];
	_ =	sdelay $0x3  }
0x96: {  	_ =	strace s3  }
0x97: {  	_ =	strace $0x8FFFFFFF  }
0x98: {  	s19 =	sld [smem:$0x3FDB];
	_ =	sdelay $0x1  }
0x99: {  	s4 =	simm.s32 $_scs_section_size  }
0x9a: {  	s5 =	simm.s32 $_size__tile_overlayer_lowered;
	s6 =	simm.s32 $_tile_overlayer_lowered  }
0x9b: {  	s22 =	simm.s32 $0x1BFF;
	s21 =	sshll.u32 s6, $0x1;
	s3 =	sadd.s32 s4, s19  }
0x9c: {  	s7 =	simm.s32 $0x0;
	s20 =	sshll.u32 s5, $0x1;
	s5 =	sadd.s32 s21, s3  }
0x9d: {  	[timem:s7], [sflag:s22] =	dma.local [hbm:s5], s20  }
0x9e: {  	_ =	swait.ge [sflag:s22], s20  }
0x9f: {  	s4 =	ssub.s32 $0x0, s20;
	[sflag:s22] =	ssyncset.done $0x0  }
0xa0: {  	[sflag:s22] =	ssyncadd.s32 s4;
	_ =	sdelay $0x1  }
0xa1: {  	s23 =	simm.s32 $0x1B8B  }
0xa2: {  	_ =	swait.ge [sflag:s23], $0x1  }
0xa3: {  	[sflag:s23] =	ssyncset.done $0x0  }
0xa4: {  	s25 =	simm.s32 $0x1B8E;
	s24 =	sld [smem:$0x3FFE];
	[sflag:s23] =	ssyncadd.s32 $0xFFFFFFFF  }
0xa5: {  	s26 =	simm.s32 $execute0_lowered;
	[smem:$0x3FD2] =	sst s25  }
0xa6: {  	s5 =	sshll.u32 s26, $0x1;
	_ =	strace $0x80000046;
	[dreg:$0x1] =	wrdreg $0xFFFFFFFF  }
0xa7: {  	s28 =	simm.s32 $_size_execute0_lowered;
	s3 =	sadd.s32 s3, s5;
	[dreg:$0x0] =	wrdreg $0x0  }
0xa8: {  	s5 =	sshll.u32 s28, $0x1;
	[dreg:$0x2] =	wrdreg s3  }
0xa9: {  	[dreg:$0x3] =	wrdreg s5  }
0xaa: {  	[dreg:$0x4] =	wrdreg $0xC0  }
0xab: {  	_ =	task [dreg:s7], $0x5FFFF  }
0xac: {  	[dreg:$0x1] =	wrdreg $0xFFFFFFFF  }
0xad: {  	[dreg:$0x0] =	wrdreg $0x60  }
0xae: {  	[dreg:$0x2] =	wrdreg s2  }
0xaf: {  	[dreg:$0x3] =	wrdreg s24  }
0xb0: {  	[dreg:$0x4] =	wrdreg $0x9  }
0xb1: {  	_ =	task.clear_ibuf [dreg:s7], $0x5FFFF;
	_ =	strace $0x90000046  }
0xb2: {  	s29 =	simm.s32 $0x9;
	_ =	strace $0x80000048  }
0xb3: {  	_ =	swait.ge [sflag:s29], $0x1  }
0xb4: {  	[sflag:s29] =	ssyncadd.s32 $0xFFFFFFFF  }
0xb5: {  	_ =	strace $0x90000048  }
0xb6: {  	_ =	sfence  }
0xb7: {  	s30 =	sld [smem:$0x0];
	_ =	sdelay $0x2  }
0xb8: {  	s31 =	sshll.u32 s1, $0xD;
	s1 =	sshrl.u32 s1, $0x2  }
0xb9: {  	s3 =	sand.u32 $0x4000, s31;
	s1 =	sadd.s32 s1, s30  }
0xba: {  	s0 =	sor.u32 s3, s0;
	s1 =	sshll.u32 s1, $0x11  }
0xbb: {  	s0 =	sor.u32 s1, s0  }
0xbc: {  	s0 =	sadd.s32 $0x8F2B, s0  }
0xbd: {  	[sflag:s0] =	ssyncadd.remote.s32 $0x1  }
0xbe: {  	_ =	sfence.sel $0xFFFF  }
0xbf: {  	[dreg:$0x0] =	wrdreg $0xFFFFFFFF;
	(pc) =	sbr.abs _section_cstart, $3  }
0xc0: {  	[dreg:$0x1] =	wrdreg $0xFFFFFFFF  }
0xc1: {  	_ =	task.clear_ibuf [dreg:s7], $0x2FFFF;
	_ =	strace $0x9FFFFFFF  }
0xc2: {  	(tm) =	ssettm $0x7FFFFFFF  }
0xc3: {  	_ =	shalt  }
tec
execute0_lowered:
.L_overlay_start_1:
0x0: {  	(tag) =	ssettag $0x1  }
0x1: {  	s4 =	rddreg [dreg:$0x0]  }
0x2: {  	s3 =	rddreg [dreg:$0x1]  }
0x3: {  	s0 =	rddreg [dreg:$0x2];
	s2 =	simm.s32 $0x0  }
0x4: {  	s5 =	srdreg.scid;
	s1 =	stileid.u32;
	s12 =	simm.s32 $0x10000  }
0x5: {  	s13 =	simm.s32 $0x2;
	s14 =	simm.s32 $0x10080;
	s15 =	simm.s32 $0x3  }
0x6: {  	s16 =	simm.s32 $0x0;
	[smem:$0x7FF] =	sst s2;
	s5 =	sand.u32 $0x1, s5  }
0x7: {  	s6 =	sshll.u32 s1, $0x9;
	s8 =	sshrl.u32 s1, $0x1;
	s9 =	sadd.s32 $0x800, s3  }
0x8: {  	_ =	strace $0x80000047;
	s7 =	sshll.u32 s5, $0x8;
	s6 =	sand.u32 $0x200, s6  }
0x9: {  	s5 =	ssub.s32 $0x2, s5;
	s26 =	sshll.u32 s8, $0x12;
	s6 =	sor.u32 s7, s6  }
0xa: {  	s8 =	sshll.u32 s8, $0xA;
	s28 =	sshrl.u32 s5, $0x1;
	s10 =	sor.u32 s26, s6  }
0xb: {  	s11 =	ssub.s32 s5, s28;
	s30 =	sor.u32 $0x80, s6;
	s6 =	sor.u32 s8, s6  }
0xc: {  	s29 =	sshrl.u32 s10, $0x3;
	s7 =	sor.u32 s26, s30;
	s5 =	sor.u32 s8, s30  }
0xd: {  	s6 =	sshrl.u32 s6, $0x3;
	s8 =	simm.s32 $0x80;
	s10 =	simm.s32 $0x8000  }
0xe: {  	s3 =	sadd.s32 s4, s29;
	s7 =	sshrl.u32 s7, $0x3;
	s31 =	sshrl.u32 s5, $0x3  }
0xf: {  	s5 =	sadd.s32 s9, s6;
	s4 =	sadd.s32 s4, s7;
	s6 =	sadd.s32 s9, s31  }
0x10: {  	vm0 =	vmmov $0x1;
	v0 =	vimm.s32 $0x0;
	s7 =	smax.u32 s11, $0x1;
	s9 =	simm.s32 $0x400;
	s11 =	simm.s32 $0x1  }
.LBB2_1:
0x11: {  	[tilespmem:s2], [sflag:$0x1] =	stream.strided.gather [hbm4b:s3+s8], $0x8000, s9, s8, $0x38;
	[tilespmem:$0x10100] =	vst v63  }
0x12: {  	_ = 	snop  }
0x13: {  	[tilespmem:s10], [sflag:$0x2] =	stream.strided.gather [hbm4b:s4+s8], $0x8000, s9, s8, $0x38;
	[tilespmem:$0x10100] =	vst v63  }
0x14: {  	_ =	swait.ge [sflag:s11], $0x8000  }
0x15: {  	[sflag:s11] =	ssyncset.done $0x0  }
0x16: {  	[sflag:s11] =	ssyncadd.s32 $0xFFFF8000  }
0x17: {  	v1 =	vld [tilespmem:$0x0];
	_ =	sdelay $0x4  }
0x18: {  	v1 =	vnsel vm0, $0xFF800000, v1  }
0x19: {  	(xrf0) =	vmax.scan.msk.f32 $0xffff, v1;
	_ =	sdelay $0x2  }
0x1a: {  	s18 =	simm.s32 $0x40  }
0x1b: {  	v3 =	vld [tilespmem:s18+$0xFFFFFFC0]  }
0x1c: {  	v4 =	vld [tilespmem:s18+$0xFFFFFFD0]  }
0x1d: {  	v6 =	vld [tilespmem:s18+$0xFFFFFFE0];
	v1, _, _ =	vpop (xrf0)  }
0x1e: {  	v5 =	vld [tilespmem:s18+$0xFFFFFFF0];
	v1 =	vbroadcast v1, $0xF  }
0x1f: {  	v2 =	vld [tilespmem:s18+$0x0]  }
0x20: {  	vm1 =	vgt.f32 v3, v1;
	v3 =	vld [tilespmem:s18+$0x10]  }
0x21: {  	v7 =	vsel vm1, $0x1, v0;
	vm1 =	vgt.f32 v4, v1;
	v4 =	vld [tilespmem:s18+$0x20]  }
0x22: {  	s17 =	simm.s32 $0x0;
	v7 =	vadd.s32 v7, v0;
	v8 =	vsel vm1, $0x1, v0;
	vm1 =	vgt.f32 v6, v1;
	v6 =	vld [tilespmem:s18+$0x30];
	s18 =	simm.s32 $0xC0  }
.LBB2_2:
0x23: {  	v9 =	vld [tilespmem:s18+$0xFFFFFFC0];
	s17 =	sadd.s32 $0x80, s17;
	v7 =	vadd.s32 v8, v7;
	v8 =	vsel vm1, $0x1, v0;
	vm1 =	vgt.f32 v5, v1  }
0x24: {  	v10 =	vld [tilespmem:s18+$0xFFFFFFD0];
	p0 =	slt.u32 s17, $0x7F80;
	v5 =	vadd.s32 v8, v7;
	v7 =	vsel vm1, $0x1, v0;
	vm1 =	vgt.f32 v2, v1  }
0x25: {  	v11 =	vld [tilespmem:s18+$0xFFFFFFE0];
	v2 =	vadd.s32 v7, v5;
	v7 =	vsel vm1, $0x1, v0;
	vm1 =	vgt.f32 v3, v1  }
.Ltmp0:
0x26: {  	v5 =	vld [tilespmem:s18+$0xFFFFFFF0];
	v3 =	vadd.s32 v7, v2;
	v7 =	vsel vm1, $0x1, v0;
	vm1 =	vgt.f32 v4, v1;
	(pc) =	sbr.rel @p0 .LBB2_2-.Ltmp0, $4  }
0x27: {  	v2 =	vld [tilespmem:s18+$0x0];
	v4 =	vadd.s32 v7, v3;
	v7 =	vsel vm1, $0x1, v0;
	vm1 =	vgt.f32 v6, v1  }
0x28: {  	vm2 =	vgt.f32 v9, v1;
	v3 =	vld [tilespmem:s18+$0x10];
	v6 =	vadd.s32 v7, v4;
	v7 =	vsel vm1, $0x1, v0  }
0x29: {  	v8 =	vsel vm2, $0x1, v0;
	vm1 =	vgt.f32 v10, v1;
	v4 =	vld [tilespmem:s18+$0x20];
	v6 =	vadd.s32 v7, v6  }
0x2a: {  	v7 =	vadd.s32 v8, v6;
	v8 =	vsel vm1, $0x1, v0;
	vm1 =	vgt.f32 v11, v1;
	v6 =	vld [tilespmem:s18+$0x30];
	s18 =	sadd.s32 $0x80, s18  }
0x2b: {  	v7 =	vadd.s32 v8, v7;
	v8 =	vsel vm1, $0x1, v0;
	vm1 =	vgt.f32 v5, v1  }
0x2c: {  	v5 =	vadd.s32 v8, v7;
	v7 =	vsel vm1, $0x1, v0;
	vm1 =	vgt.f32 v2, v1  }
0x2d: {  	v2 =	vadd.s32 v7, v5;
	v5 =	vsel vm1, $0x1, v0;
	vm1 =	vgt.f32 v3, v1  }
0x2e: {  	v2 =	vadd.s32 v5, v2;
	v3 =	vsel vm1, $0x1, v0;
	vm1 =	vgt.f32 v4, v1  }
0x2f: {  	v2 =	vadd.s32 v3, v2;
	v3 =	vsel vm1, $0x1, v0;
	vm1 =	vgt.f32 v6, v1  }
0x30: {  	v1 =	vadd.s32 v3, v2;
	v2 =	vsel vm1, $0x1, v0  }
0x31: {  	v1 =	vadd.s32 v2, v1  }
0x32: {  	[tilespmem:$0x10000] =	vst v1  }
0x33: {  	[hbm4b:s5+s2] =	stream.linear.scatter [tilespmem:s12], [sflag:$0x3], $0x80, $0x38;
	[tilespmem:$0x10100] =	vst v63  }
0x34: {  	_ =	swait.ge [sflag:s13], $0x8000  }
0x35: {  	[sflag:s13] =	ssyncset.done $0x0  }
0x36: {  	[sflag:s13] =	ssyncadd.s32 $0xFFFF8000  }
0x37: {  	v1 =	vld [tilespmem:$0x8000];
	_ =	sdelay $0x4  }
0x38: {  	v1 =	vnsel vm0, $0xFF800000, v1  }
0x39: {  	(xrf0) =	vmax.scan.msk.f32 $0xffff, v1;
	_ =	sdelay $0x2  }
0x3a: {  	s18 =	simm.s32 $0x8040  }
0x3b: {  	v3 =	vld [tilespmem:s18+$0xFFFFFFC0]  }
0x3c: {  	v4 =	vld [tilespmem:s18+$0xFFFFFFD0]  }
0x3d: {  	v6 =	vld [tilespmem:s18+$0xFFFFFFE0];
	v1, _, _ =	vpop (xrf0)  }
0x3e: {  	v5 =	vld [tilespmem:s18+$0xFFFFFFF0];
	v1 =	vbroadcast v1, $0xF  }
0x3f: {  	v2 =	vld [tilespmem:s18+$0x0]  }
0x40: {  	vm1 =	vgt.f32 v3, v1;
	v3 =	vld [tilespmem:s18+$0x10]  }
0x41: {  	v7 =	vimm.s32 $0x0;
	v8 =	vsel vm1, $0x1, v0;
	vm1 =	vgt.f32 v4, v1;
	v4 =	vld [tilespmem:s18+$0x20]  }
0x42: {  	s17 =	simm.s32 $0x0;
	v7 =	vadd.s32 v8, v7;
	v8 =	vsel vm1, $0x1, v0;
	vm1 =	vgt.f32 v6, v1;
	v6 =	vld [tilespmem:s18+$0x30];
	s18 =	simm.s32 $0x80C0  }
.LBB2_4:
0x43: {  	v9 =	vld [tilespmem:s18+$0xFFFFFFC0];
	s17 =	sadd.s32 $0x80, s17;
	v7 =	vadd.s32 v8, v7;
	v8 =	vsel vm1, $0x1, v0;
	vm1 =	vgt.f32 v5, v1  }
0x44: {  	v10 =	vld [tilespmem:s18+$0xFFFFFFD0];
	p0 =	slt.u32 s17, $0x7F80;
	v5 =	vadd.s32 v8, v7;
	v7 =	vsel vm1, $0x1, v0;
	vm1 =	vgt.f32 v2, v1  }
0x45: {  	v11 =	vld [tilespmem:s18+$0xFFFFFFE0];
	v2 =	vadd.s32 v7, v5;
	v7 =	vsel vm1, $0x1, v0;
	vm1 =	vgt.f32 v3, v1  }
.Ltmp1:
0x46: {  	v5 =	vld [tilespmem:s18+$0xFFFFFFF0];
	v3 =	vadd.s32 v7, v2;
	v7 =	vsel vm1, $0x1, v0;
	vm1 =	vgt.f32 v4, v1;
	(pc) =	sbr.rel @p0 .LBB2_4-.Ltmp1, $4  }
0x47: {  	v2 =	vld [tilespmem:s18+$0x0];
	v4 =	vadd.s32 v7, v3;
	v7 =	vsel vm1, $0x1, v0;
	vm1 =	vgt.f32 v6, v1  }
0x48: {  	vm2 =	vgt.f32 v9, v1;
	v3 =	vld [tilespmem:s18+$0x10];
	v6 =	vadd.s32 v7, v4;
	v7 =	vsel vm1, $0x1, v0  }
0x49: {  	v8 =	vsel vm2, $0x1, v0;
	vm1 =	vgt.f32 v10, v1;
	v4 =	vld [tilespmem:s18+$0x20];
	v6 =	vadd.s32 v7, v6  }
0x4a: {  	v7 =	vadd.s32 v8, v6;
	v8 =	vsel vm1, $0x1, v0;
	vm1 =	vgt.f32 v11, v1;
	v6 =	vld [tilespmem:s18+$0x30];
	s18 =	sadd.s32 $0x80, s18  }
0x4b: {  	v7 =	vadd.s32 v8, v7;
	v60 =	vsel vm1, $0x1, v0;
	vm1 =	vgt.f32 v5, v1  }
0x4c: {  	v61 =	vadd.s32 v60, v7;
	v62 =	vsel vm1, $0x1, v0;
	vm1 =	vgt.f32 v2, v1  }
0x4d: {  	v2 =	vadd.s32 v62, v61;
	v63 =	vsel vm1, $0x1, v0;
	vm1 =	vgt.f32 v3, v1  }
0x4e: {  	v2 =	vadd.s32 v63, v2;
	v3 =	vsel vm1, $0x1, v0;
	vm1 =	vgt.f32 v4, v1  }
0x4f: {  	v2 =	vadd.s32 v3, v2;
	v3 =	vsel vm1, $0x1, v0;
	vm1 =	vgt.f32 v6, v1  }
0x50: {  	v1 =	vadd.s32 v3, v2;
	v2 =	vsel vm1, $0x1, v0  }
0x51: {  	v1 =	vadd.s32 v2, v1  }
0x52: {  	s16 =	sadd.s32 $0x1, s16;
	[tilespmem:$0x10080] =	vst v1  }
0x53: {  	[hbm4b:s6+s2] =	stream.linear.scatter [tilespmem:s14], [sflag:$0x3], $0x80, $0x38;
	[tilespmem:$0x10100] =	vst v63  }
0x54: {  	p0 =	sne.s32 s16, s7;
	_ =	swait.ge [sflag:s15], $0x80  }
.Ltmp2:
0x55: {  	[sflag:s15] =	ssyncset.done $0x0;
	(pc) =	sbr.rel @p0 .LBB2_1-.Ltmp2, $4  }
0x56: {  	[sflag:s15] =	ssyncadd.s32 $0xFFFFFF80  }
0x57: {  	_ =	swait.ge [sflag:s15], $0x80  }
0x58: {  	[sflag:s15] =	ssyncset.done $0x0  }
0x59: {  	[sflag:s15] =	ssyncadd.s32 $0xFFFFFF80  }
0x5a: {  	_ =	sfence.sel $0x180000  }
0x5b: {  	[bflag:$0x0] =	sbarrier.arrive $0xFFFF  }
0x5c: {  	p0 =	sne.s32 s1, $0x0;
	_ =	strace $0x90000047  }
0x5d: {  	s0 =	sadd.s32 @!p0 $0x100000, s0;
	[bflag:$0x2] =	sbarrier.arrive $0xFFFF  }
0x5e: {  	[sflag:s0] =	ssyncadd.tile.s32 @!p0 $0x1;
	_ =	shalt  }
.Lfunc_end2:
_tile_overlayer_lowered:
.L_overlay_start_2:
0x5f: {  	(tag) =	ssettag $0x2  }
0x60: {  	s0 =	rddreg [dreg:$0x0];
	s2 =	stileid.u32  }
0x61: {  	s1 =	rddreg [dreg:$0x1];
	p0 =	sne.s32 s2, $0x0  }
0x62: {  	s3 =	rddreg [dreg:$0x2];
	[bflag:$0x3] =	sbarrier.arrive $0xFFFF;
	s2 =	simm.s32 @!p0 $0x1C04  }
0x63: {  	[timem:s3], [sflag:s2] =	dma.local @!p0 [hbm:s0], s1  }
0x64: {  	s0 =	simm.s32 @!p0 $0x4  }
0x65: {  	_ =	swait.ge @!p0 [sflag:s0], s1  }
0x66: {  	s1 =	ssub.s32 @!p0 $0x0, s1;
	[sflag:s0] =	ssyncset.done @!p0 $0x0  }
0x67: {  	[sflag:s0] =	ssyncadd.s32 @!p0 s1  }
0x68: {  	[bflag:$0x3] =	sbarrier.arrive $0xFFFF  }
0x69: {  	_ =	shalt  }

</sc_bundles>
